<compile_context>
chip_gen: v7x
topology: tpu7x:2x2x1
jax: 0.10.2.dev20260603
libtpu: 0.0.44.dev20260713+nightly
codegen_flags: <defaults>
</compile_context>

<pallas_src>
import functools

import jax
import jax.numpy as jnp
from jax import lax
from jax.experimental import pallas as pl
from jax.experimental.pallas import tpu as pltpu
from jax.experimental.pallas import tpu_sc as plsc

_DATA = 17
_D = 128
_NW = 32
_CB = 16


def _make_permute_kernel(num_b):
    b_per_w = num_b // _NW
    n_chunks = b_per_w // _CB
    rows_w = b_per_w * _DATA
    rows_c = _CB * _DATA
    mesh = plsc.VectorSubcoreMesh(core_axis_name="c", subcore_axis_name="s")

    @functools.partial(
        pl.kernel,
        out_type=jax.ShapeDtypeStruct((num_b, _DATA, _D), jnp.float32),
        mesh=mesh,
        scratch_types=[
            pltpu.VMEM((rows_w,), jnp.int32),
            pltpu.VMEM_SHARED((16, rows_c, _D), jnp.float32),
            pltpu.VMEM((rows_c, _D), jnp.float32),
            pltpu.SemaphoreType.DMA,
        ],
    )
    def permute_k(in_hbm, lidx_hbm, out_hbm, lidx_v, in_sh, out_v, sem):
        sid = lax.axis_index("s")
        wid = sid * 2 + lax.axis_index("c")
        pltpu.sync_copy(lidx_hbm.at[pl.ds(wid * rows_w, rows_w)], lidx_v)

        def body(c, carry):
            b0 = wid * b_per_w + c * _CB
            pltpu.sync_copy(in_hbm.at[pl.ds(b0, _CB)],
                            in_sh.at[sid].reshape(_CB, _DATA, _D))
            r0 = c * rows_c
            for off, n in ((0, 128), (128, 128), (256, 16)):
                pltpu.async_copy(
                    in_sh.at[sid].at[lidx_v.at[pl.ds(r0 + off, n)]],
                    out_v.at[pl.ds(off, n)], sem).wait()
            pltpu.sync_copy(out_v.reshape(_CB, _DATA, _D),
                            out_hbm.at[pl.ds(b0, _CB)])
            return carry

        lax.fori_loop(0, n_chunks, body, 0)

    return permute_k


def kernel(inputs):
    b = inputs.shape[0]
    keys = jax.random.split(jax.random.key(1234), b)
    perms = jax.vmap(lambda k: jax.random.permutation(k, _DATA))(keys)
    lidx = (perms.astype(jnp.int32)
            + ((jnp.arange(b, dtype=jnp.int32) % _CB) * _DATA)[:, None]
            ).reshape(-1)
    return _make_permute_kernel(b)(inputs, lidx)

# --- scband reference (transcript-rebuilt; emitter-appended) ---
"""Pipeline reference for scband-my-model-87522843559703 (READ-ONLY COPY).

The authoritative reference and input builder live on the scoring server;
editing this copy changes nothing except your own understanding.
"""

import jax, jax.numpy as jnp
import numpy as np

DATA_LEN = 17

def setup_inputs(seed: int = 0) -> dict:
    key = jax.random.key(seed)
    inputs = jax.random.normal(key, (16384, DATA_LEN, 128), dtype=jnp.float32)
    return {"inputs": inputs}

def reference(inputs):
    # Per-batch-row random permutation of the 17 positions, then batched gather
    # (faithful to tf.map_fn(tf.random.shuffle) + tf.gather(batch_dims=1),
    #  with a fixed PRNG key for determinism).
    B = inputs.shape[0]
    keys = jax.random.split(jax.random.key(1234), B)
    perms = jax.vmap(lambda k: jax.random.permutation(k, DATA_LEN))(keys)  # int32 [B, 17]
    out = jnp.take_along_axis(inputs, perms[:, :, None], axis=1)
    return out

if __name__ == "__main__":
    import jax
    _d = setup_inputs()
    print(jax.jit(kernel)(*tuple(_d.values())))

</pallas_src>

<mosaic_0001>
#map = affine_map<(d0, d1) -> (0, 0, 0)>
#map1 = affine_map<(d0, d1) -> (0)>
module attributes {stable_mosaic.version = 14 : i64} {
  func.func @permute_k(%arg0: i32, %arg1: i32, %arg2: memref<16384x17x128xf32, #tpu.memory_space<hbm>>, %arg3: memref<278528xi32, #tpu.memory_space<hbm>>, %arg4: memref<16384x17x128xf32, #tpu.memory_space<hbm>>, %arg5: memref<8704xi32, #tpu.memory_space<vmem>>, %arg6: memref<16x272x128xf32, #tpu.memory_space<vmem_shared>>, %arg7: memref<272x128xf32, #tpu.memory_space<vmem>>, %arg8: memref<!tpu.dma_semaphore, #tpu.memory_space<semaphore_mem>>) attributes {dimension_semantics = [#tpu.dimension_semantics<core_parallel>, #tpu.dimension_semantics<subcore_parallel>], iteration_bounds = array<i64: 2, 16>, scalar_prefetch = 0 : i64, scratch_operands = 4 : i64, tpu.core_type = #tpu.core_type<sc_vector_subcore>, window_params = [{transform_indices = #map}, {transform_indices = #map1}, {transform_indices = #map}]} {
    %mul3A = arith.constant 2 : i32
    %mul3A_0 = arith.muli %arg1, %mul3A : i32
    %add3A = arith.addi %mul3A_0, %arg0 : i32
    %mul3A_1 = arith.constant 8704 : i32
    %mul3A_2 = arith.muli %add3A, %mul3A_1 : i32
    "tpu.region"() ({
      %run_scoped3A = tpu.sem_alloc : memref<!tpu.dma_semaphore, #tpu.memory_space<semaphore_mem>>
      %dma_start3A = tpu.memref_slice %arg3[%mul3A_2] : memref<278528xi32, #tpu.memory_space<hbm>> -> memref<8704xi32, #tpu.memory_space<hbm>>
      %dma_start3A_8 = tpu.memref_slice %arg3[%mul3A_2] : memref<278528xi32, #tpu.memory_space<hbm>> -> memref<8704xi32, #tpu.memory_space<hbm>>
      tpu.enqueue_dma source(%dma_start3A_8 : memref<8704xi32, #tpu.memory_space<hbm>>) target(%arg5 : memref<8704xi32, #tpu.memory_space<vmem>>) target_semaphore(%run_scoped3A : memref<!tpu.dma_semaphore, #tpu.memory_space<semaphore_mem>>)
      %dma_wait3A = tpu.memref_slice %arg3[%mul3A_2] : memref<278528xi32, #tpu.memory_space<hbm>> -> memref<8704xi32, #tpu.memory_space<hbm>>
      %dma_wait3A_9 = tpu.memref_slice %arg3[%mul3A_2] : memref<278528xi32, #tpu.memory_space<hbm>> -> memref<8704xi32, #tpu.memory_space<hbm>>
      tpu.wait_dma2 semaphore(%run_scoped3A : memref<!tpu.dma_semaphore, #tpu.memory_space<semaphore_mem>>) src(%dma_wait3A_9 : memref<8704xi32, #tpu.memory_space<hbm>>) dst(%arg5 : memref<8704xi32, #tpu.memory_space<vmem>>)
      tpu.yield
    }) : () -> ()
    %scan3A = arith.constant 0 : i32
    %scan3A_3 = arith.constant 0 : i32
    %scan3A_4 = arith.constant 32 : i32
    %scan3A_5 = arith.addi %scan3A_3, %scan3A_4 : i32
    %scan3A_6 = arith.constant 1 : i32
    scf.for %scan3A_8 = %scan3A_3 to %scan3A_5 step %scan3A_6  : i32 {
      %mul3A_9 = arith.constant 512 : i32
      %mul3A_10 = arith.muli %add3A, %mul3A_9 : i32
      %mul3A_11 = arith.constant 16 : i32
      %mul3A_12 = arith.muli %scan3A_8, %mul3A_11 : i32
      %add3A_13 = arith.addi %mul3A_10, %mul3A_12 : i32
      "tpu.region"() ({
        %run_scoped3A = tpu.sem_alloc : memref<!tpu.dma_semaphore, #tpu.memory_space<semaphore_mem>>
        %dma_start3A_86 = arith.constant 0 : i32
        %dma_start3A_87 = arith.constant 0 : i32
        %dma_start3A_88 = tpu.memref_slice %arg6[%arg1, %dma_start3A_86, %dma_start3A_87] : memref<16x272x128xf32, #tpu.memory_space<vmem_shared>> -> memref<1x272x128xf32, #tpu.memory_space<vmem_shared>>
        %dma_start3A_89 = tpu.memref_squeeze %dma_start3A_88 : memref<1x272x128xf32, #tpu.memory_space<vmem_shared>> -> memref<272x128xf32, #tpu.memory_space<vmem_shared>>
        %dma_start3A_90 = tpu.memref_reshape %dma_start3A_89 : memref<272x128xf32, #tpu.memory_space<vmem_shared>> -> memref<16x17x128xf32, #tpu.memory_space<vmem_shared>>
        %dma_start3A_91 = arith.constant 0 : i32
        %dma_start3A_92 = arith.constant 0 : i32
        %dma_start3A_93 = tpu.memref_slice %arg2[%add3A_13, %dma_start3A_91, %dma_start3A_92] : memref<16384x17x128xf32, #tpu.memory_space<hbm>> -> memref<16x17x128xf32, #tpu.memory_space<hbm>>
        tpu.enqueue_dma source(%dma_start3A_93 : memref<16x17x128xf32, #tpu.memory_space<hbm>>) target(%dma_start3A_90 : memref<16x17x128xf32, #tpu.memory_space<vmem_shared>>) target_semaphore(%run_scoped3A : memref<!tpu.dma_semaphore, #tpu.memory_space<semaphore_mem>>)
        %dma_wait3A_94 = arith.constant 0 : i32
        %dma_wait3A_95 = arith.constant 0 : i32
        %dma_wait3A_96 = tpu.memref_slice %arg6[%arg1, %dma_wait3A_94, %dma_wait3A_95] : memref<16x272x128xf32, #tpu.memory_space<vmem_shared>> -> memref<1x272x128xf32, #tpu.memory_space<vmem_shared>>
        %dma_wait3A_97 = tpu.memref_squeeze %dma_wait3A_96 : memref<1x272x128xf32, #tpu.memory_space<vmem_shared>> -> memref<272x128xf32, #tpu.memory_space<vmem_shared>>
        %dma_wait3A_98 = tpu.memref_reshape %dma_wait3A_97 : memref<272x128xf32, #tpu.memory_space<vmem_shared>> -> memref<16x17x128xf32, #tpu.memory_space<vmem_shared>>
        %dma_wait3A_99 = arith.constant 0 : i32
        %dma_wait3A_100 = arith.constant 0 : i32
        %dma_wait3A_101 = tpu.memref_slice %arg2[%add3A_13, %dma_wait3A_99, %dma_wait3A_100] : memref<16384x17x128xf32, #tpu.memory_space<hbm>> -> memref<16x17x128xf32, #tpu.memory_space<hbm>>
        tpu.wait_dma2 semaphore(%run_scoped3A : memref<!tpu.dma_semaphore, #tpu.memory_space<semaphore_mem>>) src(%dma_wait3A_101 : memref<16x17x128xf32, #tpu.memory_space<hbm>>) dst(%dma_wait3A_98 : memref<16x17x128xf32, #tpu.memory_space<vmem_shared>>)
        tpu.yield
      }) : () -> ()
      %mul3A_14 = arith.constant 272 : i32
      %mul3A_15 = arith.muli %scan3A_8, %mul3A_14 : i32
      %add3A_16 = arith.constant 0 : i32
      %add3A_17 = arith.addi %mul3A_15, %add3A_16 : i32
      %dma_start3A = arith.constant 0 : i32
      %dma_start3A_18 = arith.constant 0 : i32
      %dma_start3A_19 = tpu.memref_slice %arg7[%dma_start3A, %dma_start3A_18] : memref<272x128xf32, #tpu.memory_space<vmem>> -> memref<128x128xf32, #tpu.memory_space<vmem>>
      %dma_start3A_20 = tpu.memref_slice %arg5[%add3A_17] : memref<8704xi32, #tpu.memory_space<vmem>> -> memref<128xi32, #tpu.memory_space<vmem>>
      %dma_start3A_21 = arith.constant 0 : i32
      %dma_start3A_22 = arith.constant 0 : i32
      %dma_start3A_23 = tpu.memref_slice %arg6[%arg1, %dma_start3A_21, %dma_start3A_22] : memref<16x272x128xf32, #tpu.memory_space<vmem_shared>> -> memref<1x272x128xf32, #tpu.memory_space<vmem_shared>>
      %dma_start3A_24 = tpu.memref_squeeze %dma_start3A_23 : memref<1x272x128xf32, #tpu.memory_space<vmem_shared>> -> memref<272x128xf32, #tpu.memory_space<vmem_shared>>
      %dma_start3A_25 = arith.constant 0 : i32
      %dma_start3A_26 = arith.constant 0 : i32
      %dma_start3A_27 = tpu.memref_slice %dma_start3A_24[%dma_start3A_25, %dma_start3A_26] : memref<272x128xf32, #tpu.memory_space<vmem_shared>> -> memref<272x128xf32, #tpu.memory_space<vmem_shared>>
      tpu.enqueue_indirect_dma source(%dma_start3A_27 : memref<272x128xf32, #tpu.memory_space<vmem_shared>>) target(%dma_start3A_19 : memref<128x128xf32, #tpu.memory_space<vmem>>) offsets(%dma_start3A_20 : memref<128xi32, #tpu.memory_space<vmem>>) semaphore(%arg8 : memref<!tpu.dma_semaphore, #tpu.memory_space<semaphore_mem>>)
      %dma_wait3A = arith.constant 0 : i32
      %dma_wait3A_28 = arith.constant 0 : i32
      %dma_wait3A_29 = tpu.memref_slice %arg7[%dma_wait3A, %dma_wait3A_28] : memref<272x128xf32, #tpu.memory_space<vmem>> -> memref<128x128xf32, #tpu.memory_space<vmem>>
      %dma_wait3A_30 = tpu.memref_slice %arg5[%add3A_17] : memref<8704xi32, #tpu.memory_space<vmem>> -> memref<128xi32, #tpu.memory_space<vmem>>
      %dma_wait3A_31 = arith.constant 0 : i32
      %dma_wait3A_32 = arith.constant 0 : i32
      %dma_wait3A_33 = tpu.memref_slice %arg6[%arg1, %dma_wait3A_31, %dma_wait3A_32] : memref<16x272x128xf32, #tpu.memory_space<vmem_shared>> -> memref<1x272x128xf32, #tpu.memory_space<vmem_shared>>
      %dma_wait3A_34 = tpu.memref_squeeze %dma_wait3A_33 : memref<1x272x128xf32, #tpu.memory_space<vmem_shared>> -> memref<272x128xf32, #tpu.memory_space<vmem_shared>>
      %dma_wait3A_35 = arith.constant 0 : i32
      %dma_wait3A_36 = arith.constant 0 : i32
      %dma_wait3A_37 = tpu.memref_slice %dma_wait3A_34[%dma_wait3A_35, %dma_wait3A_36] : memref<272x128xf32, #tpu.memory_space<vmem_shared>> -> memref<272x128xf32, #tpu.memory_space<vmem_shared>>
      tpu.wait_indirect_dma semaphore(%arg8 : memref<!tpu.dma_semaphore, #tpu.memory_space<semaphore_mem>>) src(%dma_wait3A_37 : memref<272x128xf32, #tpu.memory_space<vmem_shared>>) dst(%dma_wait3A_29 : memref<128x128xf32, #tpu.memory_space<vmem>>)
      %add3A_38 = arith.constant 128 : i32
      %add3A_39 = arith.addi %mul3A_15, %add3A_38 : i32
      %dma_start3A_40 = arith.constant 128 : i32
      %dma_start3A_41 = arith.constant 0 : i32
      %dma_start3A_42 = tpu.memref_slice %arg7[%dma_start3A_40, %dma_start3A_41] : memref<272x128xf32, #tpu.memory_space<vmem>> -> memref<128x128xf32, #tpu.memory_space<vmem>>
      %dma_start3A_43 = tpu.memref_slice %arg5[%add3A_39] : memref<8704xi32, #tpu.memory_space<vmem>> -> memref<128xi32, #tpu.memory_space<vmem>>
      %dma_start3A_44 = arith.constant 0 : i32
      %dma_start3A_45 = arith.constant 0 : i32
      %dma_start3A_46 = tpu.memref_slice %arg6[%arg1, %dma_start3A_44, %dma_start3A_45] : memref<16x272x128xf32, #tpu.memory_space<vmem_shared>> -> memref<1x272x128xf32, #tpu.memory_space<vmem_shared>>
      %dma_start3A_47 = tpu.memref_squeeze %dma_start3A_46 : memref<1x272x128xf32, #tpu.memory_space<vmem_shared>> -> memref<272x128xf32, #tpu.memory_space<vmem_shared>>
      %dma_start3A_48 = arith.constant 0 : i32
      %dma_start3A_49 = arith.constant 0 : i32
      %dma_start3A_50 = tpu.memref_slice %dma_start3A_47[%dma_start3A_48, %dma_start3A_49] : memref<272x128xf32, #tpu.memory_space<vmem_shared>> -> memref<272x128xf32, #tpu.memory_space<vmem_shared>>
      tpu.enqueue_indirect_dma source(%dma_start3A_50 : memref<272x128xf32, #tpu.memory_space<vmem_shared>>) target(%dma_start3A_42 : memref<128x128xf32, #tpu.memory_space<vmem>>) offsets(%dma_start3A_43 : memref<128xi32, #tpu.memory_space<vmem>>) semaphore(%arg8 : memref<!tpu.dma_semaphore, #tpu.memory_space<semaphore_mem>>)
      %dma_wait3A_51 = arith.constant 128 : i32
      %dma_wait3A_52 = arith.constant 0 : i32
      %dma_wait3A_53 = tpu.memref_slice %arg7[%dma_wait3A_51, %dma_wait3A_52] : memref<272x128xf32, #tpu.memory_space<vmem>> -> memref<128x128xf32, #tpu.memory_space<vmem>>
      %dma_wait3A_54 = tpu.memref_slice %arg5[%add3A_39] : memref<8704xi32, #tpu.memory_space<vmem>> -> memref<128xi32, #tpu.memory_space<vmem>>
      %dma_wait3A_55 = arith.constant 0 : i32
      %dma_wait3A_56 = arith.constant 0 : i32
      %dma_wait3A_57 = tpu.memref_slice %arg6[%arg1, %dma_wait3A_55, %dma_wait3A_56] : memref<16x272x128xf32, #tpu.memory_space<vmem_shared>> -> memref<1x272x128xf32, #tpu.memory_space<vmem_shared>>
      %dma_wait3A_58 = tpu.memref_squeeze %dma_wait3A_57 : memref<1x272x128xf32, #tpu.memory_space<vmem_shared>> -> memref<272x128xf32, #tpu.memory_space<vmem_shared>>
      %dma_wait3A_59 = arith.constant 0 : i32
      %dma_wait3A_60 = arith.constant 0 : i32
      %dma_wait3A_61 = tpu.memref_slice %dma_wait3A_58[%dma_wait3A_59, %dma_wait3A_60] : memref<272x128xf32, #tpu.memory_space<vmem_shared>> -> memref<272x128xf32, #tpu.memory_space<vmem_shared>>
      tpu.wait_indirect_dma semaphore(%arg8 : memref<!tpu.dma_semaphore, #tpu.memory_space<semaphore_mem>>) src(%dma_wait3A_61 : memref<272x128xf32, #tpu.memory_space<vmem_shared>>) dst(%dma_wait3A_53 : memref<128x128xf32, #tpu.memory_space<vmem>>)
      %add3A_62 = arith.constant 256 : i32
      %add3A_63 = arith.addi %mul3A_15, %add3A_62 : i32
      %dma_start3A_64 = arith.constant 256 : i32
      %dma_start3A_65 = arith.constant 0 : i32
      %dma_start3A_66 = tpu.memref_slice %arg7[%dma_start3A_64, %dma_start3A_65] : memref<272x128xf32, #tpu.memory_space<vmem>> -> memref<16x128xf32, #tpu.memory_space<vmem>>
      %dma_start3A_67 = tpu.memref_slice %arg5[%add3A_63] : memref<8704xi32, #tpu.memory_space<vmem>> -> memref<16xi32, #tpu.memory_space<vmem>>
      %dma_start3A_68 = arith.constant 0 : i32
      %dma_start3A_69 = arith.constant 0 : i32
      %dma_start3A_70 = tpu.memref_slice %arg6[%arg1, %dma_start3A_68, %dma_start3A_69] : memref<16x272x128xf32, #tpu.memory_space<vmem_shared>> -> memref<1x272x128xf32, #tpu.memory_space<vmem_shared>>
      %dma_start3A_71 = tpu.memref_squeeze %dma_start3A_70 : memref<1x272x128xf32, #tpu.memory_space<vmem_shared>> -> memref<272x128xf32, #tpu.memory_space<vmem_shared>>
      %dma_start3A_72 = arith.constant 0 : i32
      %dma_start3A_73 = arith.constant 0 : i32
      %dma_start3A_74 = tpu.memref_slice %dma_start3A_71[%dma_start3A_72, %dma_start3A_73] : memref<272x128xf32, #tpu.memory_space<vmem_shared>> -> memref<272x128xf32, #tpu.memory_space<vmem_shared>>
      tpu.enqueue_indirect_dma source(%dma_start3A_74 : memref<272x128xf32, #tpu.memory_space<vmem_shared>>) target(%dma_start3A_66 : memref<16x128xf32, #tpu.memory_space<vmem>>) offsets(%dma_start3A_67 : memref<16xi32, #tpu.memory_space<vmem>>) semaphore(%arg8 : memref<!tpu.dma_semaphore, #tpu.memory_space<semaphore_mem>>)
      %dma_wait3A_75 = arith.constant 256 : i32
      %dma_wait3A_76 = arith.constant 0 : i32
      %dma_wait3A_77 = tpu.memref_slice %arg7[%dma_wait3A_75, %dma_wait3A_76] : memref<272x128xf32, #tpu.memory_space<vmem>> -> memref<16x128xf32, #tpu.memory_space<vmem>>
      %dma_wait3A_78 = tpu.memref_slice %arg5[%add3A_63] : memref<8704xi32, #tpu.memory_space<vmem>> -> memref<16xi32, #tpu.memory_space<vmem>>
      %dma_wait3A_79 = arith.constant 0 : i32
      %dma_wait3A_80 = arith.constant 0 : i32
      %dma_wait3A_81 = tpu.memref_slice %arg6[%arg1, %dma_wait3A_79, %dma_wait3A_80] : memref<16x272x128xf32, #tpu.memory_space<vmem_shared>> -> memref<1x272x128xf32, #tpu.memory_space<vmem_shared>>
      %dma_wait3A_82 = tpu.memref_squeeze %dma_wait3A_81 : memref<1x272x128xf32, #tpu.memory_space<vmem_shared>> -> memref<272x128xf32, #tpu.memory_space<vmem_shared>>
      %dma_wait3A_83 = arith.constant 0 : i32
      %dma_wait3A_84 = arith.constant 0 : i32
      %dma_wait3A_85 = tpu.memref_slice %dma_wait3A_82[%dma_wait3A_83, %dma_wait3A_84] : memref<272x128xf32, #tpu.memory_space<vmem_shared>> -> memref<272x128xf32, #tpu.memory_space<vmem_shared>>
      tpu.wait_indirect_dma semaphore(%arg8 : memref<!tpu.dma_semaphore, #tpu.memory_space<semaphore_mem>>) src(%dma_wait3A_85 : memref<272x128xf32, #tpu.memory_space<vmem_shared>>) dst(%dma_wait3A_77 : memref<16x128xf32, #tpu.memory_space<vmem>>)
      "tpu.region"() ({
        %run_scoped3A = tpu.sem_alloc : memref<!tpu.dma_semaphore, #tpu.memory_space<semaphore_mem>>
        %dma_start3A_86 = tpu.memref_reshape %arg7 : memref<272x128xf32, #tpu.memory_space<vmem>> -> memref<16x17x128xf32, #tpu.memory_space<vmem>>
        %dma_start3A_87 = arith.constant 0 : i32
        %dma_start3A_88 = arith.constant 0 : i32
        %dma_start3A_89 = tpu.memref_slice %arg4[%add3A_13, %dma_start3A_87, %dma_start3A_88] : memref<16384x17x128xf32, #tpu.memory_space<hbm>> -> memref<16x17x128xf32, #tpu.memory_space<hbm>>
        %dma_start3A_90 = arith.constant 0 : i32
        %dma_start3A_91 = arith.constant 0 : i32
        %dma_start3A_92 = tpu.memref_slice %arg4[%add3A_13, %dma_start3A_90, %dma_start3A_91] : memref<16384x17x128xf32, #tpu.memory_space<hbm>> -> memref<16x17x128xf32, #tpu.memory_space<hbm>>
        %dma_start3A_93 = tpu.memref_reshape %arg7 : memref<272x128xf32, #tpu.memory_space<vmem>> -> memref<16x17x128xf32, #tpu.memory_space<vmem>>
        tpu.enqueue_dma source(%dma_start3A_93 : memref<16x17x128xf32, #tpu.memory_space<vmem>>) target(%dma_start3A_92 : memref<16x17x128xf32, #tpu.memory_space<hbm>>) target_semaphore(%run_scoped3A : memref<!tpu.dma_semaphore, #tpu.memory_space<semaphore_mem>>)
        %dma_wait3A_94 = tpu.memref_reshape %arg7 : memref<272x128xf32, #tpu.memory_space<vmem>> -> memref<16x17x128xf32, #tpu.memory_space<vmem>>
        %dma_wait3A_95 = arith.constant 0 : i32
        %dma_wait3A_96 = arith.constant 0 : i32
        %dma_wait3A_97 = tpu.memref_slice %arg4[%add3A_13, %dma_wait3A_95, %dma_wait3A_96] : memref<16384x17x128xf32, #tpu.memory_space<hbm>> -> memref<16x17x128xf32, #tpu.memory_space<hbm>>
        %dma_wait3A_98 = arith.constant 0 : i32
        %dma_wait3A_99 = arith.constant 0 : i32
        %dma_wait3A_100 = tpu.memref_slice %arg4[%add3A_13, %dma_wait3A_98, %dma_wait3A_99] : memref<16384x17x128xf32, #tpu.memory_space<hbm>> -> memref<16x17x128xf32, #tpu.memory_space<hbm>>
        %dma_wait3A_101 = tpu.memref_reshape %arg7 : memref<272x128xf32, #tpu.memory_space<vmem>> -> memref<16x17x128xf32, #tpu.memory_space<vmem>>
        tpu.wait_dma2 semaphore(%run_scoped3A : memref<!tpu.dma_semaphore, #tpu.memory_space<semaphore_mem>>) src(%dma_wait3A_101 : memref<16x17x128xf32, #tpu.memory_space<vmem>>) dst(%dma_wait3A_100 : memref<16x17x128xf32, #tpu.memory_space<hbm>>)
        tpu.yield
      }) : () -> ()
    }
    %scan3A_7 = arith.constant 32 : i32
    return
  }
}

</mosaic_0001>

<sc_bundles>
// kernel: kernel.5.cloned.1.call-start
scs
__scs_entry_jumppad:
0x0: {  	(pc) =	sbr.rel $0x88, $3  }
0x1: {  	(tag) =	ssettag $0x0;
	lr =	simm.s32 $0x1  }
0x2: {  	[smem:$0x3FA0] =	sst lr;
	_ =	strace $0xD0000000  }
0x3: {  	_ = 	snop  }
0x4: {  	_ = 	snop  }
0x5: {  	_ = 	snop  }
0x6: {  	_ = 	snop  }
0x7: {  	_ = 	snop  }
__scs_overlays_trampoline_lowered:
0x8: {  	[smem:$0x3FAF] =	sst s0  }
0x9: {  	[smem:$0x3FB0] =	sst s1  }
0xa: {  	[smem:$0x3FB1] =	sst s2  }
0xb: {  	[smem:$0x3FB2] =	sst s3  }
0xc: {  	[smem:$0x3FB3] =	sst s4  }
0xd: {  	[smem:$0x3FB4] =	sst s5  }
0xe: {  	[smem:$0x3FB5] =	sst s6  }
0xf: {  	[smem:$0x3FB6] =	sst s7  }
0x10: {  	[smem:$0x3FB7] =	sst s8  }
0x11: {  	[smem:$0x3FB8] =	sst s9;
	s0 =	simm.s32 @!p0 $0x0  }
0x12: {  	s1 =	sld [smem:$0x3F9E];
	s0 =	simm.s32 @p0 $0x1  }
0x13: {  	[smem:$0x3FB9] =	sst s0;
	s0 =	simm.s32 @!p1 $0x0  }
0x14: {  	s2 =	sld [smem:$0x3F9D];
	s0 =	simm.s32 @p1 $0x1  }
0x15: {  	[smem:$0x3FBA] =	sst s0;
	s0 =	simm.s32 @!p2 $0x0  }
0x16: {  	s3 =	sld [smem:$0x3FDB];
	s0 =	simm.s32 @p2 $0x1  }
0x17: {  	s4 =	simm.s32 $0x1BF5;
	[smem:$0x3FBC] =	sst s0  }
0x18: {  	s0 =	sld [smem:$0x3F9F];
	_ =	swait.ge [sflag:s4], $0x0  }
0x19: {  	s7 =	sld [smem:$0x3FA0]  }
0x1a: {  	s8 =	sadd.s32 $0xFFFFE003, lr  }
0x1b: {  	s9 =	sadd.s32 $0xFFFFFEF7, lr;
	s5 =	simm.s32 $0xFFFFFFFF;
	p2 =	slt.u32 s8, $0xFFFFF086  }
0x1c: {  	p1 =	slt.u32 s9, $0xF7A;
	s5 =	simm.s32 @!p2 $0x0  }
0x1d: {  	s5 =	simm.s32 @p1 $0x1;
	p0 =	seq.s32 s7, s2  }
0x1e: {  	s7 =	smul.u32 @!p0 $0xF7A, s2;
	p2 =	seq.s32 @!p0 s5, $0x0  }
0x1f: {  	s9 =	smul.u32 $0xF7A, s1;
	s8 =	simm.s32 @!p0 $0x1BF5;
	p2 =	por !p2, p0  }
0x20: {  	[sflag:s8] =	ssyncset.s32 @!p0 $0xFFFFF086;
	s6 =	sadd.s32 @!p0 s3, s7;
	s7 =	simm.s32 @!p0 $0x108  }
0x21: {  	s3 =	sadd.s32 s3, s9;
	s6 =	sadd.s32 @!p0 $0x88, s6;
	s7 =	simm.s32 @p2 $0x1082  }
0x22: {  	[simem:s7], [sflag:s8] =	dma.local @!p0 [hbm:s6], $0xF7A  }
0x23: {  	s9 =	sor.u32 $0xD0000000, s2;
	s6 =	simm.s32 $0x108;
	_ =	swait.ge @!p0 [sflag:s8], $0x0  }
0x24: {  	s3 =	sadd.s32 $0x88, s3;
	s6 =	simm.s32 @!p1 $0x1082;
	[sflag:s4] =	ssyncset.s32 $0xFFFFF086  }
0x25: {  	[simem:s6], [sflag:s4] =	dma.local [hbm:s3], $0xF7A  }
0x26: {  	[smem:$0x3FA0] =	sst s1;
	(tag) =	ssettag s2;
	_ =	strace s9  }
0x27: {  	s1 =	sld [smem:$0x3FB0]  }
0x28: {  	s2 =	sld [smem:$0x3FB1]  }
0x29: {  	s4 =	sld [smem:$0x3FB3]  }
0x2a: {  	p0 =	seq.s32 s5, $0x0;
	s5 =	sld [smem:$0x3FB4]  }
0x2b: {  	s6 =	sld [smem:$0x3FB5]  }
0x2c: {  	s7 =	sld [smem:$0x3FB6]  }
0x2d: {  	s3 =	simm.s32 $0x108;
	s8 =	sld [smem:$0x3FB7]  }
0x2e: {  	s3 =	simm.s32 @!p0 $0x1082;
	s9 =	sld [smem:$0x3FB8]  }
0x2f: {  	lr =	sadd.s32 s0, s3;
	s0 =	sld [smem:$0x3FAF]  }
0x30: {  	s3 =	sld [smem:$0x3FB2]  }
0x31: {  	[smem:$0x3FBB] =	sst s10  }
0x32: {  	s10 =	sld [smem:$0x3FB9];
	_ =	sdelay $0x3  }
0x33: {  	p0 =	seq.s32 s10, $0x1;
	s10 =	sld [smem:$0x3FBB];
	_ =	sdelay $0x3  }
0x34: {  	[smem:$0x3FBB] =	sst s10  }
0x35: {  	s10 =	sld [smem:$0x3FBA];
	_ =	sdelay $0x3  }
0x36: {  	p1 =	seq.s32 s10, $0x1;
	s10 =	sld [smem:$0x3FBB];
	_ =	sdelay $0x3  }
0x37: {  	[smem:$0x3FBB] =	sst s10  }
0x38: {  	s10 =	sld [smem:$0x3FBC]  }
0x39: {  	_ = 	snop;
	(pc) =	sbr.ind lr, $3  }
0x3a: {  	_ = 	snop  }
0x3b: {  	_ = 	snop  }
0x3c: {  	p2 =	seq.s32 s10, $0x1;
	s10 =	sld [smem:$0x3FBB]  }
0x3d: {  	_ =	shalt  }
0x3e: {  	_ =	shalt  }
0x3f: {  	_ =	shalt  }
0x40: {  	_ =	shalt  }
0x41: {  	_ =	shalt  }
0x42: {  	_ =	shalt  }
0x43: {  	_ =	shalt  }
0x44: {  	_ =	shalt  }
0x45: {  	_ =	shalt  }
0x46: {  	_ =	shalt  }
0x47: {  	_ =	shalt  }
0x48: {  	_ =	shalt  }
0x49: {  	_ =	shalt  }
0x4a: {  	_ =	shalt  }
0x4b: {  	_ =	shalt  }
0x4c: {  	_ =	shalt  }
0x4d: {  	_ =	shalt  }
0x4e: {  	_ =	shalt  }
0x4f: {  	_ =	shalt  }
0x50: {  	_ =	shalt  }
0x51: {  	_ =	shalt  }
0x52: {  	_ =	shalt  }
0x53: {  	_ =	shalt  }
0x54: {  	_ =	shalt  }
0x55: {  	_ =	shalt  }
0x56: {  	_ =	shalt  }
0x57: {  	_ =	shalt  }
0x58: {  	_ =	shalt  }
0x59: {  	_ =	shalt  }
0x5a: {  	_ =	shalt  }
0x5b: {  	_ =	shalt  }
0x5c: {  	_ =	shalt  }
0x5d: {  	_ =	shalt  }
0x5e: {  	_ =	shalt  }
0x5f: {  	_ =	shalt  }
0x60: {  	_ =	shalt  }
0x61: {  	_ =	shalt  }
0x62: {  	_ =	shalt  }
0x63: {  	_ =	shalt  }
0x64: {  	_ =	shalt  }
0x65: {  	_ =	shalt  }
0x66: {  	_ =	shalt  }
0x67: {  	_ =	shalt  }
0x68: {  	_ =	shalt  }
0x69: {  	_ =	shalt  }
0x6a: {  	_ =	shalt  }
0x6b: {  	_ =	shalt  }
0x6c: {  	_ =	shalt  }
0x6d: {  	_ =	shalt  }
0x6e: {  	_ =	shalt  }
0x6f: {  	_ =	shalt  }
0x70: {  	_ =	shalt  }
0x71: {  	_ =	shalt  }
0x72: {  	_ =	shalt  }
0x73: {  	_ =	shalt  }
0x74: {  	_ =	shalt  }
0x75: {  	_ =	shalt  }
0x76: {  	_ =	shalt  }
0x77: {  	_ =	shalt  }
0x78: {  	_ =	shalt  }
0x79: {  	_ =	shalt  }
0x7a: {  	_ =	shalt  }
0x7b: {  	_ =	shalt  }
0x7c: {  	_ =	shalt  }
0x7d: {  	_ =	shalt  }
0x7e: {  	_ =	shalt  }
0x7f: {  	_ =	shalt  }
0x80: {  	_ =	shalt  }
0x81: {  	_ =	shalt  }
0x82: {  	_ =	shalt  }
0x83: {  	_ =	shalt  }
0x84: {  	_ =	shalt  }
0x85: {  	_ =	shalt  }
0x86: {  	_ =	shalt  }
0x87: {  	_ =	shalt  }
.Lfunc_end0:
.L_simem_size_0:
called_computation_lowered:
.L_overlay_start_0:
0x88: {  	s2 =	sld [smem:$0x3FD9]  }
0x89: {  	s3 =	sld [smem:$0x3FFE];
	_ =	sdelay $0x1  }
0x8a: {  	s1 =	srdreg.scid  }
0x8b: {  	s0 =	sand.u32 $0x1, s1  }
0x8c: {  	s17 =	sshll.u32 s0, $0xA;
	s2 =	sadd.s32 s3, s2  }
0x8d: {  	s2 =	sadd.s32 s2, s17  }
0x8e: {  	[smem:$0x3FC7] =	sst s2  }
0x8f: {  	_ = 	snop  }
0x90: {  	s2 =	sld [smem:$0x3FD0];
	(tm) =	ssettm $0x1  }
0x91: {  	s18 =	sld [smem:$0x3FFB];
	_ =	sdelay $0x3  }
0x92: {  	_ =	strace s18  }
0x93: {  	s3 =	sld [smem:$0x3FFC];
	_ =	sdelay $0x3  }
0x94: {  	_ =	strace s3  }
0x95: {  	s3 =	sld [smem:$0x3FFD];
	_ =	sdelay $0x3  }
0x96: {  	_ =	strace s3  }
0x97: {  	_ =	strace $0x8FFFFFFF  }
0x98: {  	s19 =	sld [smem:$0x3FDB];
	_ =	sdelay $0x1  }
0x99: {  	s4 =	simm.s32 $_scs_section_size  }
0x9a: {  	s5 =	simm.s32 $_size__tile_overlayer_lowered;
	s6 =	simm.s32 $_tile_overlayer_lowered  }
0x9b: {  	s22 =	simm.s32 $0x1BFF;
	s21 =	sshll.u32 s6, $0x1;
	s3 =	sadd.s32 s4, s19  }
0x9c: {  	s7 =	simm.s32 $0x0;
	s20 =	sshll.u32 s5, $0x1;
	s5 =	sadd.s32 s21, s3  }
0x9d: {  	[timem:s7], [sflag:s22] =	dma.local [hbm:s5], s20  }
0x9e: {  	_ =	swait.ge [sflag:s22], s20  }
0x9f: {  	s4 =	ssub.s32 $0x0, s20;
	[sflag:s22] =	ssyncset.done $0x0  }
0xa0: {  	[sflag:s22] =	ssyncadd.s32 s4;
	_ =	sdelay $0x1  }
0xa1: {  	s23 =	simm.s32 $0x1B8B  }
0xa2: {  	_ =	swait.ge [sflag:s23], $0x1  }
0xa3: {  	[sflag:s23] =	ssyncset.done $0x0  }
0xa4: {  	s25 =	simm.s32 $0x1B8E;
	s24 =	sld [smem:$0x3FFE];
	[sflag:s23] =	ssyncadd.s32 $0xFFFFFFFF  }
0xa5: {  	s26 =	simm.s32 $execute0_lowered;
	[smem:$0x3FD2] =	sst s25  }
0xa6: {  	s5 =	sshll.u32 s26, $0x1;
	_ =	strace $0x80000046;
	[dreg:$0x1] =	wrdreg $0xFFFFFFFF  }
0xa7: {  	s28 =	simm.s32 $_size_execute0_lowered;
	s3 =	sadd.s32 s3, s5;
	[dreg:$0x0] =	wrdreg $0x0  }
0xa8: {  	s5 =	sshll.u32 s28, $0x1;
	[dreg:$0x2] =	wrdreg s3  }
0xa9: {  	[dreg:$0x3] =	wrdreg s5  }
0xaa: {  	[dreg:$0x4] =	wrdreg $0xC0  }
0xab: {  	_ =	task [dreg:s7], $0x5FFFF  }
0xac: {  	[dreg:$0x1] =	wrdreg $0xFFFFFFFF  }
0xad: {  	[dreg:$0x0] =	wrdreg $0x60  }
0xae: {  	[dreg:$0x2] =	wrdreg s24  }
0xaf: {  	[dreg:$0x3] =	wrdreg s2  }
0xb0: {  	[dreg:$0x4] =	wrdreg $0x22000  }
0xb1: {  	[dreg:$0x5] =	wrdreg $0x9  }
0xb2: {  	_ =	task.clear_ibuf [dreg:s7], $0x6FFFF;
	_ =	strace $0x90000046  }
0xb3: {  	s29 =	simm.s32 $0x9;
	_ =	strace $0x80000048  }
0xb4: {  	_ =	swait.ge [sflag:s29], $0x1  }
0xb5: {  	[sflag:s29] =	ssyncadd.s32 $0xFFFFFFFF  }
0xb6: {  	_ =	strace $0x90000048  }
0xb7: {  	_ =	sfence  }
0xb8: {  	s30 =	sld [smem:$0x0];
	_ =	sdelay $0x2  }
0xb9: {  	s31 =	sshll.u32 s1, $0xD;
	s1 =	sshrl.u32 s1, $0x2  }
0xba: {  	s3 =	sand.u32 $0x4000, s31;
	s1 =	sadd.s32 s1, s30  }
0xbb: {  	s0 =	sor.u32 s3, s0;
	s1 =	sshll.u32 s1, $0x11  }
0xbc: {  	s0 =	sor.u32 s1, s0  }
0xbd: {  	s0 =	sadd.s32 $0x8F2B, s0  }
0xbe: {  	[sflag:s0] =	ssyncadd.remote.s32 $0x1  }
0xbf: {  	_ =	sfence.sel $0xFFFF  }
0xc0: {  	[dreg:$0x0] =	wrdreg $0xFFFFFFFF;
	(pc) =	sbr.abs _section_cstart, $3  }
0xc1: {  	[dreg:$0x1] =	wrdreg $0xFFFFFFFF  }
0xc2: {  	_ =	task.clear_ibuf [dreg:s7], $0x2FFFF;
	_ =	strace $0x9FFFFFFF  }
0xc3: {  	(tm) =	ssettm $0x7FFFFFFF  }
tec
execute0_lowered:
.L_overlay_start_1:
0x0: {  	(tag) =	ssettag $0x1  }
0x1: {  	s3 =	rddreg [dreg:$0x0]  }
0x2: {  	s1 =	srdreg.scid;
	s5 =	rddreg [dreg:$0x1]  }
0x3: {  	s0 =	stileid.u32;
	s6 =	rddreg [dreg:$0x2];
	s2 =	simm.s32 $0x0  }
0x4: {  	s13 =	simm.s32 $0x180;
	s14 =	simm.s32 $0x80;
	s15 =	simm.s32 $0xAA00  }
0x5: {  	s16 =	simm.s32 $0x1;
	s17 =	simm.s32 $0xEA00;
	s18 =	simm.s32 $0x10  }
0x6: {  	s19 =	simm.s32 $0x12A00;
	s20 =	simm.s32 $0x880;
	s21 =	simm.s32 $0xC00  }
0x7: {  	s22 =	simm.s32 $0x0;
	s4 =	sand.u32 $0x1, s1;
	s8 =	smul.u32 $0x22000, s0  }
0x8: {  	s28 =	sshll.u32 s0, $0x1;
	[smem:$0x7FF] =	sst s2;
	s10 =	smul.u32 $0x60000, s0  }
0x9: {  	s31 =	sshll.u32 s0, $0x6;
	s1 =	sor.u32 s4, s28;
	s12 =	smul.u32 $0x30000, s4  }
0xa: {  	s9 =	ssub.s32 $0x2, s4;
	s7 =	smul.u32 $0x440, s1;
	s1 =	rddreg [dreg:$0x3]  }
0xb: {  	_ =	strace $0x80000047;
	s11 =	sshrl.u32 s9, $0x1;
	s29 =	sshrl.u32 s8, $0x2  }
0xc: {  	s30 =	sadd.s32 s10, s3;
	s8 =	simm.s32 $0x2;
	s9 =	ssub.s32 s9, s11  }
0xd: {  	s4 =	sadd.s32 s29, s6;
	s11 =	simm.s32 $0x11;
	s3 =	sadd.s32 s5, s7  }
0xe: {  	s5 =	sadd.s32 s12, s30;
	s6 =	smax.u32 s9, $0x1;
	s9 =	sor.u32 $0x1C02, s31  }
0xf: {  	s10 =	sshrl.u32 s4, $0x3;
	s12 =	simm.s32 $0x110;
	s7 =	sadd.s32 $0x600000, s5  }
.LBB2_1:
0x10: {  	[tilespmem:s2], [sflag:$0x2] =	stream.linear.gather [hbm4b:s3+s2], $0x2200, $0x38;
	[tilespmem:$0x13200] =	vst v63  }
0x11: {  	_ =	swait.ge [sflag:s8], $0x2200  }
0x12: {  	[sflag:s8] =	ssyncset.done $0x0  }
0x13: {  	[sflag:s8] =	ssyncadd.s32 $0xFFFFDE00  }
0x14: {  	[spmem:s10@s12], [sflag:s9] =	dma.strided [hbm:s5@s13], $0x1100, s11, $0x10   }
0x15: {  	_ =	swait.ge [sflag:s8], $0x1100  }
0x16: {  	[sflag:s8] =	ssyncset.done $0x0  }
0x17: {  	s23 =	simm.s32 $0x0;
	[sflag:s8] =	ssyncadd.s32 $0xFFFFEF00  }
0x18: {  	[tilespmem:s15], [sflag:$0x1] =	stream.indirect.gather [spmem:s4], $0x80, s23, s14, $0xb8;
	[tilespmem:$0x13200] =	vst v63  }
0x19: {  	_ =	swait.ge [sflag:s16], $0x4000  }
0x1a: {  	[sflag:s16] =	ssyncset.done $0x0  }
0x1b: {  	s30 =	simm.s32 $0x80;
	[sflag:s16] =	ssyncadd.s32 $0xFFFFC000  }
0x1c: {  	[tilespmem:s17], [sflag:$0x1] =	stream.indirect.gather [spmem:s4], $0x80, s30, s14, $0xb8;
	[tilespmem:$0x13200] =	vst v63  }
0x1d: {  	_ =	swait.ge [sflag:s16], $0x4000  }
0x1e: {  	[sflag:s16] =	ssyncset.done $0x0  }
0x1f: {  	s31 =	simm.s32 $0x100;
	[sflag:s16] =	ssyncadd.s32 $0xFFFFC000  }
0x20: {  	[tilespmem:s19], [sflag:$0x1] =	stream.indirect.gather [spmem:s4], $0x80, s31, s18, $0xb8;
	[tilespmem:$0x13200] =	vst v63  }
0x21: {  	_ =	swait.ge [sflag:s16], $0x800  }
0x22: {  	[sflag:s16] =	ssyncset.done $0x0  }
0x23: {  	[sflag:s16] =	ssyncadd.s32 $0xFFFFF800  }
0x24: {  	[hbm4b:s7+s20] =	stream.strided.scatter [tilespmem:s15], [sflag:$0x2], $0x8800, s21, s20, $0x38;
	[tilespmem:$0x13200] =	vst v63  }
0x25: {  	s24 =	smov.u32 s5;
	_ =	swait.ge [sflag:s8], $0x8800  }
0x26: {  	s25 =	smov.u32 s7;
	s23 =	simm.s32 $0x440;
	[sflag:s8] =	ssyncset.done $0x0  }
.LBB2_2:
0x27: {  	[sflag:s8] =	ssyncadd.s32 $0xFFFF7800  }
0x28: {  	s24 =	sadd.s32 $0x1800, s24;
	s25 =	sadd.s32 $0x1800, s25;
	s26 =	smov.u32 s23  }
0x29: {  	[spmem:s10@s12], [sflag:s9] =	dma.strided [hbm:s24@s13], $0x1100, s11, $0x10   }
0x2a: {  	p0 =	sne.s32 s23, $0x83C0;
	s23 =	sadd.s32 $0x440, s23;
	_ =	swait.ge [sflag:s8], $0x1100  }
0x2b: {  	[sflag:s8] =	ssyncset.done $0x0  }
0x2c: {  	s26 =	sshra.s32 s26, $0x2;
	[sflag:s8] =	ssyncadd.s32 $0xFFFFEF00  }
0x2d: {  	[tilespmem:s15], [sflag:$0x1] =	stream.indirect.gather [spmem:s4], $0x80, s26, s14, $0xb8;
	[tilespmem:$0x13200] =	vst v63  }
0x2e: {  	_ =	swait.ge [sflag:s16], $0x4000  }
0x2f: {  	[sflag:s16] =	ssyncset.done $0x0  }
0x30: {  	s28 =	sadd.s32 $0x80, s26;
	[sflag:s16] =	ssyncadd.s32 $0xFFFFC000  }
0x31: {  	[tilespmem:s17], [sflag:$0x1] =	stream.indirect.gather [spmem:s4], $0x80, s28, s14, $0xb8;
	[tilespmem:$0x13200] =	vst v63  }
0x32: {  	_ =	swait.ge [sflag:s16], $0x4000  }
0x33: {  	[sflag:s16] =	ssyncset.done $0x0  }
0x34: {  	s26 =	sadd.s32 $0x100, s26;
	[sflag:s16] =	ssyncadd.s32 $0xFFFFC000  }
0x35: {  	[tilespmem:s19], [sflag:$0x1] =	stream.indirect.gather [spmem:s4], $0x80, s26, s18, $0xb8;
	[tilespmem:$0x13200] =	vst v63  }
0x36: {  	_ =	swait.ge [sflag:s16], $0x800  }
.Ltmp0:
0x37: {  	[sflag:s16] =	ssyncset.done $0x0;
	(pc) =	sbr.rel @p0 .LBB2_2-.Ltmp0, $4  }
0x38: {  	[sflag:s16] =	ssyncadd.s32 $0xFFFFF800  }
0x39: {  	[hbm4b:s25+s20] =	stream.strided.scatter [tilespmem:s15], [sflag:$0x2], $0x8800, s21, s20, $0x38;
	[tilespmem:$0x13200] =	vst v63  }
0x3a: {  	_ =	swait.ge [sflag:s8], $0x8800  }
0x3b: {  	[sflag:s8] =	ssyncset.done $0x0  }
0x3c: {  	s22 =	sadd.s32 $0x1, s22  }
0x3d: {  	p0 =	sne.s32 s22, s6  }
.Ltmp1:
0x3e: {  	_ = 	snop;
	(pc) =	sbr.rel @p0 .LBB2_1-.Ltmp1, $2  }
0x3f: {  	_ =	sdelay $0x2  }
0x40: {  	[sflag:s8] =	ssyncadd.s32 $0xFFFF7800  }
0x41: {  	_ =	sfence.sel $0x180000  }
0x42: {  	[bflag:$0x0] =	sbarrier.arrive $0xFFFF  }
0x43: {  	p0 =	sne.s32 s0, $0x0;
	_ =	strace $0x90000047  }
0x44: {  	s0 =	sadd.s32 @!p0 $0x100000, s1;
	[bflag:$0x2] =	sbarrier.arrive $0xFFFF  }
0x45: {  	[sflag:s0] =	ssyncadd.tile.s32 @!p0 $0x1;
	_ =	shalt  }
.Lfunc_end2:
_tile_overlayer_lowered:
.L_overlay_start_2:
0x46: {  	(tag) =	ssettag $0x2  }
0x47: {  	s0 =	rddreg [dreg:$0x0];
	s2 =	stileid.u32  }
0x48: {  	s1 =	rddreg [dreg:$0x1];
	p0 =	sne.s32 s2, $0x0  }
0x49: {  	s3 =	rddreg [dreg:$0x2];
	[bflag:$0x3] =	sbarrier.arrive $0xFFFF;
	s2 =	simm.s32 @!p0 $0x1C02  }
0x4a: {  	[timem:s3], [sflag:s2] =	dma.local @!p0 [hbm:s0], s1  }
0x4b: {  	s0 =	simm.s32 @!p0 $0x2  }
0x4c: {  	_ =	swait.ge @!p0 [sflag:s0], s1  }
0x4d: {  	s1 =	ssub.s32 @!p0 $0x0, s1;
	[sflag:s0] =	ssyncset.done @!p0 $0x0  }
0x4e: {  	[sflag:s0] =	ssyncadd.s32 @!p0 s1  }
0x4f: {  	[bflag:$0x3] =	sbarrier.arrive $0xFFFF  }
0x50: {  	_ =	shalt  }

</sc_bundles>
